<compile_context>
chip_gen: v7x
topology: tpu7x:2x2x1
jax: 0.10.2.dev20260603
libtpu: 0.0.44.dev20260713+nightly
codegen_flags: <defaults>
</compile_context>

<pallas_src>
import functools

import jax
import jax.numpy as jnp
from jax import lax
from jax.experimental import pallas as pl
from jax.experimental.pallas import tpu as pltpu
from jax.experimental.pallas import tpu_sc as plsc

B, C, H, W = 8, 768, 32, 32
P = H * W
D = 256
K = 8192
TN = 512
NT = K // TN

NC, NS = 2, 16
NW = NC * NS
BPW = (B * P) // NW
CHUNK = 128


def _dist_body(z_ref, w_ref, b_ref, e_ref, et_ref, ind_ref, acc_ref,
               fpm, f2v, best):
    b = pl.program_id(0)
    j = pl.program_id(1)

    @pl.when(jnp.logical_and(b == 0, j == 0))
    def _init_acc():
        acc_ref[0, 0] = 0.0

    @pl.when(j == 0)
    def _project():
        ze = jnp.dot(w_ref[...], z_ref[0],
                     preferred_element_type=jnp.float32) + b_ref[...]
        fv = ze.T
        f2x = 2.0 * fv
        masked = lax.bitcast_convert_type(
            lax.bitcast_convert_type(f2x, jnp.uint32)
            & jnp.uint32(0xFFFF0000), jnp.float32)
        fpm[...] = masked.astype(jnp.bfloat16)
        f2v[...] = jnp.sum(fv * fv, axis=1, keepdims=True)

    et = e_ref[...]
    e2 = jnp.sum(et_ref[...] * et_ref[...], axis=0, keepdims=True)
    c2 = lax.dot_general(fpm[...], et.astype(jnp.bfloat16),
                         (((1,), (1,)), ((), ())),
                         preferred_element_type=jnp.float32)
    s = (f2v[...] - c2) + e2
    m = jnp.min(s, axis=1, keepdims=True)
    cols = lax.broadcasted_iota(jnp.int32, (P, TN), 1) + j * TN
    cand = jnp.min(jnp.where(s == m, cols, jnp.int32(2**30)),
                   axis=1, keepdims=True)

    @pl.when(j == 0)
    def _first():
        best[...] = m
        ind_ref[0] = cand

    @pl.when(j > 0)
    def _rest():
        prev = best[...]
        upd = m < prev
        best[...] = jnp.where(upd, m, prev)
        ind_ref[0] = jnp.where(upd, cand, ind_ref[0])

    @pl.when(j == NT - 1)
    def _finish():
        acc_ref[0, 0] += jnp.sum(best[...])


def _transpose_body(zq_ref, out_ref):
    out_ref[0] = zq_ref[0].T


def _argmin_and_loss(z3, w, b2, e, et):
    return pl.pallas_call(
        _dist_body,
        grid=(B, NT),
        in_specs=[
            pl.BlockSpec((1, C, P), lambda b, j: (b, 0, 0)),
            pl.BlockSpec((D, C), lambda b, j: (0, 0)),
            pl.BlockSpec((D, 1), lambda b, j: (0, 0)),
            pl.BlockSpec((TN, D), lambda b, j: (j, 0)),
            pl.BlockSpec((D, TN), lambda b, j: (0, j)),
        ],
        out_specs=[
            pl.BlockSpec((1, P, 1), lambda b, j: (b, 0, 0)),
            pl.BlockSpec((1, 1), lambda b, j: (0, 0),
                         memory_space=pltpu.SMEM),
        ],
        out_shape=[
            jax.ShapeDtypeStruct((B, P, 1), jnp.int32),
            jax.ShapeDtypeStruct((1, 1), jnp.float32),
        ],
        scratch_shapes=[
            pltpu.VMEM((P, D), jnp.bfloat16),
            pltpu.VMEM((P, 1), jnp.float32),
            pltpu.VMEM((P, 1), jnp.float32),
        ],
    )(z3, w, b2, e, et)


def _sc_gather(table, idx_flat):
    mesh = plsc.VectorSubcoreMesh(core_axis_name="c", subcore_axis_name="s")

    @functools.partial(
        pl.kernel,
        mesh=mesh,
        out_type=jax.ShapeDtypeStruct((B * P, D), jnp.float32),
        scratch_types=[
            pltpu.VMEM((CHUNK,), jnp.int32),
            pltpu.VMEM((CHUNK, D), jnp.float32),
            pltpu.SemaphoreType.DMA,
        ],
    )
    def gather(table_hbm, idx_hbm, out_hbm, idx_v, rows_v, sem):
        wid = lax.axis_index("s") * NC + lax.axis_index("c")
        base = wid * BPW
        for c in range(BPW // CHUNK):
            off = base + c * CHUNK
            pltpu.sync_copy(idx_hbm.at[pl.ds(off, CHUNK)], idx_v)
            pltpu.async_copy(table_hbm.at[idx_v], rows_v, sem).wait()
            pltpu.sync_copy(rows_v, out_hbm.at[pl.ds(off, CHUNK)])

    return gather(table, idx_flat)


def _to_channel_major(zq_pm):
    return pl.pallas_call(
        _transpose_body,
        grid=(B,),
        in_specs=[pl.BlockSpec((1, P, D), lambda b: (b, 0, 0))],
        out_specs=pl.BlockSpec((1, D, P), lambda b: (b, 0, 0)),
        out_shape=jax.ShapeDtypeStruct((B, D, P), jnp.float32),
    )(zq_pm)


def kernel(z, W_proj, b_proj, embed_w):
    z3 = z.reshape(B, C, P)
    b2 = b_proj.reshape(D, 1)

    ind3, acc = _argmin_and_loss(z3, W_proj, b2, embed_w, embed_w.T)
    ind_flat = ind3.reshape(B * P)

    zq_pm = _sc_gather(embed_w, ind_flat)
    zq_cm = _to_channel_major(zq_pm.reshape(B, P, D))

    m = acc[0, 0] / (B * P * D)
    latent_loss = (0.25 * m + m) * 10.0

    z_q = zq_cm.reshape(B, D, H, W)
    ind = ind_flat.reshape(B, H, W)
    return (z_q, latent_loss, ind)

# --- scband reference (transcript-rebuilt; emitter-appended) ---
"""Pipeline reference for scband-vqvaequantize-19679540150764 (READ-ONLY COPY).

The authoritative reference and input builder live on the scoring server;
editing this copy changes nothing except your own understanding.
"""

import jax, jax.numpy as jnp
import numpy as np


def setup_inputs(seed: int = 0) -> dict:
    key = jax.random.key(seed)
    k1, k2, k3, k4 = jax.random.split(key, 4)
    z = jax.random.normal(k1, (8, 768, 32, 32), dtype=jnp.float32)
    # 1x1 conv == per-pixel linear: weight [out=256, in=768], bias [256]
    W_proj = jax.random.normal(k2, (256, 768), dtype=jnp.float32) * 0.02
    b_proj = jnp.zeros((256,), dtype=jnp.float32)
    embed_w = jax.random.normal(k4, (8192, 256), dtype=jnp.float32) * 0.02
    return {"z": z, "W_proj": W_proj, "b_proj": b_proj, "embed_w": embed_w}


def reference(z, W_proj, b_proj, embed_w):
    B, C, H, W = z.shape
    embedding_dim = embed_w.shape[1]
    # nn.Conv2d(num_hiddens, embedding_dim, 1)
    z_e = jnp.einsum('bchw,dc->bdhw', z, W_proj) + b_proj[None, :, None, None]
    # permute(0, 2, 3, 1)
    z_e = jnp.transpose(z_e, (0, 2, 3, 1))
    flatten = z_e.reshape(-1, embedding_dim)
    # squared-distance matrix: ||f||^2 - 2 f E^T + ||E||^2
    dist = (flatten ** 2).sum(axis=1, keepdims=True) \
        - 2.0 * flatten @ embed_w.T \
        + (embed_w ** 2).sum(axis=1)[None, :]
    ind = jnp.argmax(-dist, axis=1)
    ind = ind.reshape(B, H, W)
    # embed_code: F.embedding(ind, embed.weight)
    z_q = jnp.take(embed_w, ind, axis=0)
    sg = jax.lax.stop_gradient
    commitment_cost = 0.25
    latent_loss = commitment_cost * jnp.mean((sg(z_q) - z_e) ** 2) \
        + jnp.mean((z_q - sg(z_e)) ** 2)
    latent_loss = latent_loss * 10.0
    # straight-through estimator
    z_q = z_e + sg(z_q - z_e)
    # permute(0, 3, 1, 2)
    z_q = jnp.transpose(z_q, (0, 3, 1, 2))
    return (z_q, latent_loss, ind)

if __name__ == "__main__":
    import jax
    _d = setup_inputs()
    print(jax.jit(kernel)(*tuple(_d.values())))

</pallas_src>

<mosaic_0001>
#map = affine_map<(d0, d1) -> (0, 0)>
#map1 = affine_map<(d0, d1) -> (0)>
module attributes {stable_mosaic.version = 14 : i64} {
  func.func @gather(%arg0: i32, %arg1: i32, %arg2: memref<8192x256xf32, #tpu.memory_space<hbm>>, %arg3: memref<8192xi32, #tpu.memory_space<hbm>>, %arg4: memref<8192x256xf32, #tpu.memory_space<hbm>>, %arg5: memref<128xi32, #tpu.memory_space<vmem>>, %arg6: memref<128x256xf32, #tpu.memory_space<vmem>>, %arg7: memref<!tpu.dma_semaphore, #tpu.memory_space<semaphore_mem>>) attributes {dimension_semantics = [#tpu.dimension_semantics<core_parallel>, #tpu.dimension_semantics<subcore_parallel>], iteration_bounds = array<i64: 2, 16>, scalar_prefetch = 0 : i64, scratch_operands = 3 : i64, tpu.core_type = #tpu.core_type<sc_vector_subcore>, window_params = [{transform_indices = #map}, {transform_indices = #map1}, {transform_indices = #map}]} {
    %mul3A = arith.constant 2 : i32
    %mul3A_0 = arith.muli %arg1, %mul3A : i32
    %add3A = arith.addi %mul3A_0, %arg0 : i32
    %mul3A_1 = arith.constant 256 : i32
    %mul3A_2 = arith.muli %add3A, %mul3A_1 : i32
    %add3A_3 = arith.constant 0 : i32
    %add3A_4 = arith.addi %mul3A_2, %add3A_3 : i32
    "tpu.region"() ({
      %run_scoped3A = tpu.sem_alloc : memref<!tpu.dma_semaphore, #tpu.memory_space<semaphore_mem>>
      %dma_start3A_17 = tpu.memref_slice %arg3[%add3A_4] : memref<8192xi32, #tpu.memory_space<hbm>> -> memref<128xi32, #tpu.memory_space<hbm>>
      %dma_start3A_18 = tpu.memref_slice %arg3[%add3A_4] : memref<8192xi32, #tpu.memory_space<hbm>> -> memref<128xi32, #tpu.memory_space<hbm>>
      tpu.enqueue_dma source(%dma_start3A_18 : memref<128xi32, #tpu.memory_space<hbm>>) target(%arg5 : memref<128xi32, #tpu.memory_space<vmem>>) target_semaphore(%run_scoped3A : memref<!tpu.dma_semaphore, #tpu.memory_space<semaphore_mem>>)
      %dma_wait3A_19 = tpu.memref_slice %arg3[%add3A_4] : memref<8192xi32, #tpu.memory_space<hbm>> -> memref<128xi32, #tpu.memory_space<hbm>>
      %dma_wait3A_20 = tpu.memref_slice %arg3[%add3A_4] : memref<8192xi32, #tpu.memory_space<hbm>> -> memref<128xi32, #tpu.memory_space<hbm>>
      tpu.wait_dma2 semaphore(%run_scoped3A : memref<!tpu.dma_semaphore, #tpu.memory_space<semaphore_mem>>) src(%dma_wait3A_20 : memref<128xi32, #tpu.memory_space<hbm>>) dst(%arg5 : memref<128xi32, #tpu.memory_space<vmem>>)
      tpu.yield
    }) : () -> ()
    %dma_start3A = arith.constant 0 : i32
    %dma_start3A_5 = arith.constant 0 : i32
    %dma_start3A_6 = tpu.memref_slice %arg2[%dma_start3A, %dma_start3A_5] : memref<8192x256xf32, #tpu.memory_space<hbm>> -> memref<8192x256xf32, #tpu.memory_space<hbm>>
    tpu.enqueue_indirect_dma source(%dma_start3A_6 : memref<8192x256xf32, #tpu.memory_space<hbm>>) target(%arg6 : memref<128x256xf32, #tpu.memory_space<vmem>>) offsets(%arg5 : memref<128xi32, #tpu.memory_space<vmem>>) semaphore(%arg7 : memref<!tpu.dma_semaphore, #tpu.memory_space<semaphore_mem>>)
    %dma_wait3A = arith.constant 0 : i32
    %dma_wait3A_7 = arith.constant 0 : i32
    %dma_wait3A_8 = tpu.memref_slice %arg2[%dma_wait3A, %dma_wait3A_7] : memref<8192x256xf32, #tpu.memory_space<hbm>> -> memref<8192x256xf32, #tpu.memory_space<hbm>>
    tpu.wait_indirect_dma semaphore(%arg7 : memref<!tpu.dma_semaphore, #tpu.memory_space<semaphore_mem>>) src(%dma_wait3A_8 : memref<8192x256xf32, #tpu.memory_space<hbm>>) dst(%arg6 : memref<128x256xf32, #tpu.memory_space<vmem>>)
    "tpu.region"() ({
      %run_scoped3A = tpu.sem_alloc : memref<!tpu.dma_semaphore, #tpu.memory_space<semaphore_mem>>
      %dma_start3A_17 = arith.constant 0 : i32
      %dma_start3A_18 = tpu.memref_slice %arg4[%add3A_4, %dma_start3A_17] : memref<8192x256xf32, #tpu.memory_space<hbm>> -> memref<128x256xf32, #tpu.memory_space<hbm>>
      %dma_start3A_19 = arith.constant 0 : i32
      %dma_start3A_20 = tpu.memref_slice %arg4[%add3A_4, %dma_start3A_19] : memref<8192x256xf32, #tpu.memory_space<hbm>> -> memref<128x256xf32, #tpu.memory_space<hbm>>
      tpu.enqueue_dma source(%arg6 : memref<128x256xf32, #tpu.memory_space<vmem>>) target(%dma_start3A_20 : memref<128x256xf32, #tpu.memory_space<hbm>>) target_semaphore(%run_scoped3A : memref<!tpu.dma_semaphore, #tpu.memory_space<semaphore_mem>>)
      %dma_wait3A_21 = arith.constant 0 : i32
      %dma_wait3A_22 = tpu.memref_slice %arg4[%add3A_4, %dma_wait3A_21] : memref<8192x256xf32, #tpu.memory_space<hbm>> -> memref<128x256xf32, #tpu.memory_space<hbm>>
      %dma_wait3A_23 = arith.constant 0 : i32
      %dma_wait3A_24 = tpu.memref_slice %arg4[%add3A_4, %dma_wait3A_23] : memref<8192x256xf32, #tpu.memory_space<hbm>> -> memref<128x256xf32, #tpu.memory_space<hbm>>
      tpu.wait_dma2 semaphore(%run_scoped3A : memref<!tpu.dma_semaphore, #tpu.memory_space<semaphore_mem>>) src(%arg6 : memref<128x256xf32, #tpu.memory_space<vmem>>) dst(%dma_wait3A_24 : memref<128x256xf32, #tpu.memory_space<hbm>>)
      tpu.yield
    }) : () -> ()
    %add3A_9 = arith.constant 128 : i32
    %add3A_10 = arith.addi %mul3A_2, %add3A_9 : i32
    "tpu.region"() ({
      %run_scoped3A = tpu.sem_alloc : memref<!tpu.dma_semaphore, #tpu.memory_space<semaphore_mem>>
      %dma_start3A_17 = tpu.memref_slice %arg3[%add3A_10] : memref<8192xi32, #tpu.memory_space<hbm>> -> memref<128xi32, #tpu.memory_space<hbm>>
      %dma_start3A_18 = tpu.memref_slice %arg3[%add3A_10] : memref<8192xi32, #tpu.memory_space<hbm>> -> memref<128xi32, #tpu.memory_space<hbm>>
      tpu.enqueue_dma source(%dma_start3A_18 : memref<128xi32, #tpu.memory_space<hbm>>) target(%arg5 : memref<128xi32, #tpu.memory_space<vmem>>) target_semaphore(%run_scoped3A : memref<!tpu.dma_semaphore, #tpu.memory_space<semaphore_mem>>)
      %dma_wait3A_19 = tpu.memref_slice %arg3[%add3A_10] : memref<8192xi32, #tpu.memory_space<hbm>> -> memref<128xi32, #tpu.memory_space<hbm>>
      %dma_wait3A_20 = tpu.memref_slice %arg3[%add3A_10] : memref<8192xi32, #tpu.memory_space<hbm>> -> memref<128xi32, #tpu.memory_space<hbm>>
      tpu.wait_dma2 semaphore(%run_scoped3A : memref<!tpu.dma_semaphore, #tpu.memory_space<semaphore_mem>>) src(%dma_wait3A_20 : memref<128xi32, #tpu.memory_space<hbm>>) dst(%arg5 : memref<128xi32, #tpu.memory_space<vmem>>)
      tpu.yield
    }) : () -> ()
    %dma_start3A_11 = arith.constant 0 : i32
    %dma_start3A_12 = arith.constant 0 : i32
    %dma_start3A_13 = tpu.memref_slice %arg2[%dma_start3A_11, %dma_start3A_12] : memref<8192x256xf32, #tpu.memory_space<hbm>> -> memref<8192x256xf32, #tpu.memory_space<hbm>>
    tpu.enqueue_indirect_dma source(%dma_start3A_13 : memref<8192x256xf32, #tpu.memory_space<hbm>>) target(%arg6 : memref<128x256xf32, #tpu.memory_space<vmem>>) offsets(%arg5 : memref<128xi32, #tpu.memory_space<vmem>>) semaphore(%arg7 : memref<!tpu.dma_semaphore, #tpu.memory_space<semaphore_mem>>)
    %dma_wait3A_14 = arith.constant 0 : i32
    %dma_wait3A_15 = arith.constant 0 : i32
    %dma_wait3A_16 = tpu.memref_slice %arg2[%dma_wait3A_14, %dma_wait3A_15] : memref<8192x256xf32, #tpu.memory_space<hbm>> -> memref<8192x256xf32, #tpu.memory_space<hbm>>
    tpu.wait_indirect_dma semaphore(%arg7 : memref<!tpu.dma_semaphore, #tpu.memory_space<semaphore_mem>>) src(%dma_wait3A_16 : memref<8192x256xf32, #tpu.memory_space<hbm>>) dst(%arg6 : memref<128x256xf32, #tpu.memory_space<vmem>>)
    "tpu.region"() ({
      %run_scoped3A = tpu.sem_alloc : memref<!tpu.dma_semaphore, #tpu.memory_space<semaphore_mem>>
      %dma_start3A_17 = arith.constant 0 : i32
      %dma_start3A_18 = tpu.memref_slice %arg4[%add3A_10, %dma_start3A_17] : memref<8192x256xf32, #tpu.memory_space<hbm>> -> memref<128x256xf32, #tpu.memory_space<hbm>>
      %dma_start3A_19 = arith.constant 0 : i32
      %dma_start3A_20 = tpu.memref_slice %arg4[%add3A_10, %dma_start3A_19] : memref<8192x256xf32, #tpu.memory_space<hbm>> -> memref<128x256xf32, #tpu.memory_space<hbm>>
      tpu.enqueue_dma source(%arg6 : memref<128x256xf32, #tpu.memory_space<vmem>>) target(%dma_start3A_20 : memref<128x256xf32, #tpu.memory_space<hbm>>) target_semaphore(%run_scoped3A : memref<!tpu.dma_semaphore, #tpu.memory_space<semaphore_mem>>)
      %dma_wait3A_21 = arith.constant 0 : i32
      %dma_wait3A_22 = tpu.memref_slice %arg4[%add3A_10, %dma_wait3A_21] : memref<8192x256xf32, #tpu.memory_space<hbm>> -> memref<128x256xf32, #tpu.memory_space<hbm>>
      %dma_wait3A_23 = arith.constant 0 : i32
      %dma_wait3A_24 = tpu.memref_slice %arg4[%add3A_10, %dma_wait3A_23] : memref<8192x256xf32, #tpu.memory_space<hbm>> -> memref<128x256xf32, #tpu.memory_space<hbm>>
      tpu.wait_dma2 semaphore(%run_scoped3A : memref<!tpu.dma_semaphore, #tpu.memory_space<semaphore_mem>>) src(%arg6 : memref<128x256xf32, #tpu.memory_space<vmem>>) dst(%dma_wait3A_24 : memref<128x256xf32, #tpu.memory_space<hbm>>)
      tpu.yield
    }) : () -> ()
    return
  }
}

module attributes {stable_mosaic.version = 14 : i64} {
  func.func @_dist_body(%arg0: i32, %arg1: i32, %arg2: memref<1x768x1024xf32, #tpu.memory_space<vmem>>, %arg3: memref<256x768xf32, #tpu.memory_space<vmem>>, %arg4: memref<256x1xf32, #tpu.memory_space<vmem>>, %arg5: memref<512x256xf32, #tpu.memory_space<vmem>>, %arg6: memref<256x512xf32, #tpu.memory_space<vmem>>, %arg7: memref<1x1024x1xi32, #tpu.memory_space<vmem>>, %arg8: memref<1x1xf32, #tpu.memory_space<smem>>, %arg9: memref<1024x256xbf16, #tpu.memory_space<vmem>>, %arg10: memref<1024x1xf32, #tpu.memory_space<vmem>>, %arg11: memref<1024x1xf32, #tpu.memory_space<vmem>>) attributes {dimension_semantics = [#tpu.dimension_semantics<arbitrary>, #tpu.dimension_semantics<arbitrary>], iteration_bounds = array<i64: 8, 16>, scalar_prefetch = 0 : i64, scratch_operands = 3 : i64, tpu.core_type = #tpu.core_type<tc>, window_params = [{transform_indices = @transform_0, window_bounds = array<i64: 1, 768, 1024>}, {pipeline_mode = #tpu.pipeline_mode<synchronous>, transform_indices = @transform_1, window_bounds = array<i64: 256, 768>}, {pipeline_mode = #tpu.pipeline_mode<synchronous>, transform_indices = @transform_2, window_bounds = array<i64: 256, 1>}, {transform_indices = @transform_3, window_bounds = array<i64: 512, 256>}, {transform_indices = @transform_4, window_bounds = array<i64: 256, 512>}, {transform_indices = @transform_5, window_bounds = array<i64: 1, 1024, 1>}, {transform_indices = @transform_6, window_bounds = array<i64: 1, 1>}]} {
    %eq3A = arith.constant 0 : i32
    %eq3A_0 = arith.cmpi eq, %arg0, %eq3A : i32
    %eq3A_1 = arith.constant 0 : i32
    %eq3A_2 = arith.cmpi eq, %arg1, %eq3A_1 : i32
    %and3A = arith.andi %eq3A_0, %eq3A_2 : i1
    %convert_element_type3A = arith.extui %and3A : i1 to i32
    %cond3A = arith.constant 0 : i32
    %cond3A_3 = arith.cmpi ne, %convert_element_type3A, %cond3A : i32
    scf.if %cond3A_3 {
      %swap3A = arith.constant 0.000000e+00 : f32
      %swap3A_54 = arith.constant 0 : index
      %swap3A_55 = arith.constant 0 : index
      %swap3A_56 = memref.load %arg8[%swap3A_54, %swap3A_55] : memref<1x1xf32, #tpu.memory_space<smem>>
      memref.store %swap3A, %arg8[%swap3A_54, %swap3A_55] : memref<1x1xf32, #tpu.memory_space<smem>>
    } else {
    }
    %eq3A_4 = arith.constant 0 : i32
    %eq3A_5 = arith.cmpi eq, %arg1, %eq3A_4 : i32
    %convert_element_type3A_6 = arith.extui %eq3A_5 : i1 to i32
    %cond3A_7 = arith.constant 0 : i32
    %cond3A_8 = arith.cmpi ne, %convert_element_type3A_6, %cond3A_7 : i32
    scf.if %cond3A_8 {
      %get3A_54 = arith.constant 0 : index
      %get3A_55 = arith.constant 0 : index
      %get3A_56 = vector.load %arg3[%get3A_54, %get3A_55] : memref<256x768xf32, #tpu.memory_space<vmem>>, vector<256x768xf32>
      %get3A_57 = arith.constant 0 : index
      %get3A_58 = arith.constant 0 : index
      %get3A_59 = arith.constant 0 : index
      %get3A_60 = vector.load %arg2[%get3A_57, %get3A_58, %get3A_59] : memref<1x768x1024xf32, #tpu.memory_space<vmem>>, vector<1x768x1024xf32>
      %get3A_61 = vector.shape_cast %get3A_60 : vector<1x768x1024xf32> to vector<768x1024xf32>
      %dot_general3A_62 = arith.constant dense<0.000000e+00> : vector<256x1024xf32>
      %dot_general3A_63 = tpu.matmul %get3A_56, %get3A_61, %dot_general3A_62 {dimension_numbers = #tpu.dot_dimension_numbers<[1], [0], [0], [1], [0, 0, 1, 1], [], []>, transpose_lhs_hint = false} : vector<256x768xf32>, vector<768x1024xf32>, vector<256x1024xf32> -> vector<256x1024xf32>
      %get3A_64 = arith.constant 0 : index
      %get3A_65 = arith.constant 0 : index
      %get3A_66 = vector.load %arg4[%get3A_64, %get3A_65] : memref<256x1xf32, #tpu.memory_space<vmem>>, vector<256x1xf32>
      %add3A_67 = vector.broadcast %get3A_66 : vector<256x1xf32> to vector<256x1024xf32>
      %add3A_68 = arith.addf %dot_general3A_63, %add3A_67 : vector<256x1024xf32>
      %transpose3A = tpu.transpose %add3A_68, [1, 0] : vector<256x1024xf32> -> vector<1024x256xf32>
      %mul3A_69 = arith.constant 2.000000e+00 : f32
      %mul3A_70 = vector.broadcast %mul3A_69 : f32 to vector<1024x256xf32>
      %mul3A_71 = arith.mulf %mul3A_70, %transpose3A : vector<1024x256xf32>
      %bitcast_convert_type3A = tpu.bitcast %mul3A_71 : vector<1024x256xf32> -> vector<1024x256xi32>
      %and3A_72 = arith.constant -65536 : i32
      %and3A_73 = vector.broadcast %and3A_72 : i32 to vector<1024x256xi32>
      %and3A_74 = arith.andi %bitcast_convert_type3A, %and3A_73 : vector<1024x256xi32>
      %bitcast_convert_type3A_75 = tpu.bitcast %and3A_74 : vector<1024x256xi32> -> vector<1024x256xf32>
      %convert_element_type3A_76 = arith.truncf %bitcast_convert_type3A_75 : vector<1024x256xf32> to vector<1024x256xbf16>
      %swap3A = arith.constant 0 : index
      %swap3A_77 = arith.constant 0 : index
      %swap3A_78 = vector.load %arg9[%swap3A, %swap3A_77] : memref<1024x256xbf16, #tpu.memory_space<vmem>>, vector<1024x256xbf16>
      tpu.vector_store %arg9[%swap3A, %swap3A_77], %convert_element_type3A_76 {strides = array<i32>} : memref<1024x256xbf16, #tpu.memory_space<vmem>>, vector<1024x256xbf16>,
      %mul3A_79 = arith.mulf %transpose3A, %transpose3A : vector<1024x256xf32>
      %reduce_sum3A_80 = arith.constant dense<0.000000e+00> : vector<1024xf32>
      %reduce_sum3A_81 = vector.multi_reduction <add>, %mul3A_79, %reduce_sum3A_80 [1] : vector<1024x256xf32> to vector<1024xf32>
      %broadcast_in_dim3A_82 = vector.shape_cast %reduce_sum3A_81 : vector<1024xf32> to vector<1024x1xf32>
      %swap3A_83 = arith.constant 0 : index
      %swap3A_84 = arith.constant 0 : index
      %swap3A_85 = vector.load %arg10[%swap3A_83, %swap3A_84] : memref<1024x1xf32, #tpu.memory_space<vmem>>, vector<1024x1xf32>
      tpu.vector_store %arg10[%swap3A_83, %swap3A_84], %broadcast_in_dim3A_82 {strides = array<i32>} : memref<1024x1xf32, #tpu.memory_space<vmem>>, vector<1024x1xf32>,
    } else {
    }
    %get3A = arith.constant 0 : index
    %get3A_9 = arith.constant 0 : index
    %get3A_10 = vector.load %arg5[%get3A, %get3A_9] : memref<512x256xf32, #tpu.memory_space<vmem>>, vector<512x256xf32>
    %get3A_11 = arith.constant 0 : index
    %get3A_12 = arith.constant 0 : index
    %get3A_13 = vector.load %arg6[%get3A_11, %get3A_12] : memref<256x512xf32, #tpu.memory_space<vmem>>, vector<256x512xf32>
    %get3A_14 = arith.constant 0 : index
    %get3A_15 = arith.constant 0 : index
    %get3A_16 = vector.load %arg6[%get3A_14, %get3A_15] : memref<256x512xf32, #tpu.memory_space<vmem>>, vector<256x512xf32>
    %mul3A = arith.mulf %get3A_13, %get3A_16 : vector<256x512xf32>
    %reduce_sum3A = arith.constant dense<0.000000e+00> : vector<512xf32>
    %reduce_sum3A_17 = vector.multi_reduction <add>, %mul3A, %reduce_sum3A [0] : vector<256x512xf32> to vector<512xf32>
    %broadcast_in_dim3A = vector.shape_cast %reduce_sum3A_17 : vector<512xf32> to vector<1x512xf32>
    %get3A_18 = arith.constant 0 : index
    %get3A_19 = arith.constant 0 : index
    %get3A_20 = vector.load %arg9[%get3A_18, %get3A_19] : memref<1024x256xbf16, #tpu.memory_space<vmem>>, vector<1024x256xbf16>
    %convert_element_type3A_21 = arith.truncf %get3A_10 : vector<512x256xf32> to vector<512x256xbf16>
    %dot_general3A = arith.constant dense<0.000000e+00> : vector<1024x512xf32>
    %dot_general3A_22 = tpu.matmul %get3A_20, %convert_element_type3A_21, %dot_general3A {dimension_numbers = #tpu.dot_dimension_numbers<[1], [1], [0], [0], [0, 0, 1, 0], [], []>, transpose_lhs_hint = false} : vector<1024x256xbf16>, vector<512x256xbf16>, vector<1024x512xf32> -> vector<1024x512xf32>
    %get3A_23 = arith.constant 0 : index
    %get3A_24 = arith.constant 0 : index
    %get3A_25 = vector.load %arg10[%get3A_23, %get3A_24] : memref<1024x1xf32, #tpu.memory_space<vmem>>, vector<1024x1xf32>
    %sub3A = vector.broadcast %get3A_25 : vector<1024x1xf32> to vector<1024x512xf32>
    %sub3A_26 = arith.subf %sub3A, %dot_general3A_22 : vector<1024x512xf32>
    %add3A = vector.broadcast %broadcast_in_dim3A : vector<1x512xf32> to vector<1024x512xf32>
    %add3A_27 = arith.addf %sub3A_26, %add3A : vector<1024x512xf32>
    %reduce_min3A = arith.constant dense<0x7F800000> : vector<1024xf32>
    %reduce_min3A_28 = vector.multi_reduction <minimumf>, %add3A_27, %reduce_min3A [1] : vector<1024x512xf32> to vector<1024xf32>
    %broadcast_in_dim3A_29 = vector.shape_cast %reduce_min3A_28 : vector<1024xf32> to vector<1024x1xf32>
    %iota3A = tpu.iota {dimensions = array<i32: 1>} : vector<1024x512xi32>
    %mul3A_30 = arith.constant 512 : i32
    %mul3A_31 = arith.muli %arg1, %mul3A_30 : i32
    %add3A_32 = vector.broadcast %mul3A_31 : i32 to vector<1024x512xi32>
    %add3A_33 = arith.addi %iota3A, %add3A_32 : vector<1024x512xi32>
    %eq3A_34 = vector.broadcast %broadcast_in_dim3A_29 : vector<1024x1xf32> to vector<1024x512xf32>
    %eq3A_35 = arith.cmpf oeq, %add3A_27, %eq3A_34 : vector<1024x512xf32>
    %jit3A = arith.constant 1073741824 : i32
    %broadcast_in_dim3A_36 = vector.broadcast %jit3A : i32 to vector<1024x512xi32>
    %select_n3A = arith.select %eq3A_35, %add3A_33, %broadcast_in_dim3A_36 : vector<1024x512xi1>, vector<1024x512xi32>
    %reduce_min3A_37 = arith.constant dense<2147483647> : vector<1024xi32>
    %reduce_min3A_38 = vector.multi_reduction <minsi>, %select_n3A, %reduce_min3A_37 [1] : vector<1024x512xi32> to vector<1024xi32>
    %broadcast_in_dim3A_39 = vector.shape_cast %reduce_min3A_38 : vector<1024xi32> to vector<1024x1xi32>
    %eq3A_40 = arith.constant 0 : i32
    %eq3A_41 = arith.cmpi eq, %arg1, %eq3A_40 : i32
    %convert_element_type3A_42 = arith.extui %eq3A_41 : i1 to i32
    %cond3A_43 = arith.constant 0 : i32
    %cond3A_44 = arith.cmpi ne, %convert_element_type3A_42, %cond3A_43 : i32
    scf.if %cond3A_44 {
      %swap3A = arith.constant 0 : index
      %swap3A_54 = arith.constant 0 : index
      %swap3A_55 = vector.load %arg11[%swap3A, %swap3A_54] : memref<1024x1xf32, #tpu.memory_space<vmem>>, vector<1024x1xf32>
      tpu.vector_store %arg11[%swap3A, %swap3A_54], %broadcast_in_dim3A_29 {strides = array<i32>} : memref<1024x1xf32, #tpu.memory_space<vmem>>, vector<1024x1xf32>,
      %swap3A_56 = arith.constant 0 : index
      %swap3A_57 = arith.constant 0 : index
      %swap3A_58 = arith.constant 0 : index
      %swap3A_59 = vector.load %arg7[%swap3A_56, %swap3A_57, %swap3A_58] : memref<1x1024x1xi32, #tpu.memory_space<vmem>>, vector<1x1024x1xi32>
      %swap3A_60 = vector.shape_cast %swap3A_59 : vector<1x1024x1xi32> to vector<1024x1xi32>
      %swap3A_61 = vector.shape_cast %broadcast_in_dim3A_39 : vector<1024x1xi32> to vector<1x1024x1xi32>
      tpu.vector_store %arg7[%swap3A_56, %swap3A_57, %swap3A_58], %swap3A_61 {strides = array<i32>} : memref<1x1024x1xi32, #tpu.memory_space<vmem>>, vector<1x1024x1xi32>,
    } else {
    }
    %gt3A = arith.constant 0 : i32
    %gt3A_45 = arith.cmpi sgt, %arg1, %gt3A : i32
    %convert_element_type3A_46 = arith.extui %gt3A_45 : i1 to i32
    %cond3A_47 = arith.constant 0 : i32
    %cond3A_48 = arith.cmpi ne, %convert_element_type3A_46, %cond3A_47 : i32
    scf.if %cond3A_48 {
      %get3A_54 = arith.constant 0 : index
      %get3A_55 = arith.constant 0 : index
      %get3A_56 = vector.load %arg11[%get3A_54, %get3A_55] : memref<1024x1xf32, #tpu.memory_space<vmem>>, vector<1024x1xf32>
      %lt3A = arith.cmpf olt, %broadcast_in_dim3A_29, %get3A_56 : vector<1024x1xf32>
      %select_n3A_57 = arith.select %lt3A, %broadcast_in_dim3A_29, %get3A_56 : vector<1024x1xi1>, vector<1024x1xf32>
      %swap3A = arith.constant 0 : index
      %swap3A_58 = arith.constant 0 : index
      %swap3A_59 = vector.load %arg11[%swap3A, %swap3A_58] : memref<1024x1xf32, #tpu.memory_space<vmem>>, vector<1024x1xf32>
      tpu.vector_store %arg11[%swap3A, %swap3A_58], %select_n3A_57 {strides = array<i32>} : memref<1024x1xf32, #tpu.memory_space<vmem>>, vector<1024x1xf32>,
      %get3A_60 = arith.constant 0 : index
      %get3A_61 = arith.constant 0 : index
      %get3A_62 = arith.constant 0 : index
      %get3A_63 = vector.load %arg7[%get3A_60, %get3A_61, %get3A_62] : memref<1x1024x1xi32, #tpu.memory_space<vmem>>, vector<1x1024x1xi32>
      %get3A_64 = vector.shape_cast %get3A_63 : vector<1x1024x1xi32> to vector<1024x1xi32>
      %select_n3A_65 = arith.select %lt3A, %broadcast_in_dim3A_39, %get3A_64 : vector<1024x1xi1>, vector<1024x1xi32>
      %swap3A_66 = arith.constant 0 : index
      %swap3A_67 = arith.constant 0 : index
      %swap3A_68 = arith.constant 0 : index
      %swap3A_69 = vector.load %arg7[%swap3A_66, %swap3A_67, %swap3A_68] : memref<1x1024x1xi32, #tpu.memory_space<vmem>>, vector<1x1024x1xi32>
      %swap3A_70 = vector.shape_cast %swap3A_69 : vector<1x1024x1xi32> to vector<1024x1xi32>
      %swap3A_71 = vector.shape_cast %select_n3A_65 : vector<1024x1xi32> to vector<1x1024x1xi32>
      tpu.vector_store %arg7[%swap3A_66, %swap3A_67, %swap3A_68], %swap3A_71 {strides = array<i32>} : memref<1x1024x1xi32, #tpu.memory_space<vmem>>, vector<1x1024x1xi32>,
    } else {
    }
    %eq3A_49 = arith.constant 15 : i32
    %eq3A_50 = arith.cmpi eq, %arg1, %eq3A_49 : i32
    %convert_element_type3A_51 = arith.extui %eq3A_50 : i1 to i32
    %cond3A_52 = arith.constant 0 : i32
    %cond3A_53 = arith.cmpi ne, %convert_element_type3A_51, %cond3A_52 : i32
    scf.if %cond3A_53 {
      %get3A_54 = arith.constant 0 : index
      %get3A_55 = arith.constant 0 : index
      %get3A_56 = memref.load %arg8[%get3A_54, %get3A_55] : memref<1x1xf32, #tpu.memory_space<smem>>
      %get3A_57 = arith.constant 0 : index
      %get3A_58 = arith.constant 0 : index
      %get3A_59 = vector.load %arg11[%get3A_57, %get3A_58] : memref<1024x1xf32, #tpu.memory_space<vmem>>, vector<1024x1xf32>
      %reduce_sum3A_60 = vector.shape_cast %get3A_59 : vector<1024x1xf32> to vector<1x1024x1xf32>
      %reduce_sum3A_61 = arith.constant dense<0.000000e+00> : vector<1xf32>
      %reduce_sum3A_62 = vector.multi_reduction <add>, %reduce_sum3A_60, %reduce_sum3A_61 [1, 2] : vector<1x1024x1xf32> to vector<1xf32>
      %reduce_sum3A_63 = vector.shape_cast %reduce_sum3A_62 : vector<1xf32> to vector<1x1x1xf32>
      %reduce_sum3A_64 = vector.extract %reduce_sum3A_63[0, 0, 0] : f32 from vector<1x1x1xf32>
      %add3A_65 = arith.addf %get3A_56, %reduce_sum3A_64 : f32
      %swap3A = arith.constant 0 : index
      %swap3A_66 = arith.constant 0 : index
      %swap3A_67 = memref.load %arg8[%swap3A, %swap3A_66] : memref<1x1xf32, #tpu.memory_space<smem>>
      memref.store %add3A_65, %arg8[%swap3A, %swap3A_66] : memref<1x1xf32, #tpu.memory_space<smem>>
    } else {
    }
    return
  }
  func.func @transform_0(%arg0: i32, %arg1: i32) -> (i32, i32, i32) {
    %c0_i32 = arith.constant 0 : i32
    %c0_i32_0 = arith.constant 0 : i32
    %c0_i32_1 = arith.constant 0 : i32
    return %arg0, %c0_i32, %c0_i32_0 : i32, i32, i32
  }
  func.func @transform_1(%arg0: i32, %arg1: i32) -> (i32, i32) {
    %c0_i32 = arith.constant 0 : i32
    %c0_i32_0 = arith.constant 0 : i32
    %c0_i32_1 = arith.constant 0 : i32
    return %c0_i32, %c0_i32_0 : i32, i32
  }
  func.func @transform_2(%arg0: i32, %arg1: i32) -> (i32, i32) {
    %c0_i32 = arith.constant 0 : i32
    %c0_i32_0 = arith.constant 0 : i32
    %c0_i32_1 = arith.constant 0 : i32
    return %c0_i32, %c0_i32_0 : i32, i32
  }
  func.func @transform_3(%arg0: i32, %arg1: i32) -> (i32, i32) {
    %c0_i32 = arith.constant 0 : i32
    %c0_i32_0 = arith.constant 0 : i32
    return %arg1, %c0_i32 : i32, i32
  }
  func.func @transform_4(%arg0: i32, %arg1: i32) -> (i32, i32) {
    %c0_i32 = arith.constant 0 : i32
    %c0_i32_0 = arith.constant 0 : i32
    return %c0_i32, %arg1 : i32, i32
  }
  func.func @transform_5(%arg0: i32, %arg1: i32) -> (i32, i32, i32) {
    %c0_i32 = arith.constant 0 : i32
    %c0_i32_0 = arith.constant 0 : i32
    %c0_i32_1 = arith.constant 0 : i32
    return %arg0, %c0_i32, %c0_i32_0 : i32, i32, i32
  }
  func.func @transform_6(%arg0: i32, %arg1: i32) -> (i32, i32) {
    %c0_i32 = arith.constant 0 : i32
    %c0_i32_0 = arith.constant 0 : i32
    %c0_i32_1 = arith.constant 0 : i32
    return %c0_i32, %c0_i32_0 : i32, i32
  }
}

module attributes {stable_mosaic.version = 14 : i64} {
  func.func @_transpose_body(%arg0: i32, %arg1: memref<1x1024x256xf32, #tpu.memory_space<vmem>>, %arg2: memref<1x256x1024xf32, #tpu.memory_space<vmem>>) attributes {dimension_semantics = [#tpu.dimension_semantics<arbitrary>], iteration_bounds = array<i64: 8>, scalar_prefetch = 0 : i64, scratch_operands = 0 : i64, tpu.core_type = #tpu.core_type<tc>, window_params = [{transform_indices = @transform_0, window_bounds = array<i64: 1, 1024, 256>}, {transform_indices = @transform_1, window_bounds = array<i64: 1, 256, 1024>}]} {
    %get3A = arith.constant 0 : index
    %get3A_0 = arith.constant 0 : index
    %get3A_1 = arith.constant 0 : index
    %get3A_2 = vector.load %arg1[%get3A, %get3A_0, %get3A_1] : memref<1x1024x256xf32, #tpu.memory_space<vmem>>, vector<1x1024x256xf32>
    %get3A_3 = vector.shape_cast %get3A_2 : vector<1x1024x256xf32> to vector<1024x256xf32>
    %transpose3A = tpu.transpose %get3A_3, [1, 0] : vector<1024x256xf32> -> vector<256x1024xf32>
    %swap3A = arith.constant 0 : index
    %swap3A_4 = arith.constant 0 : index
    %swap3A_5 = arith.constant 0 : index
    %swap3A_6 = vector.load %arg2[%swap3A, %swap3A_4, %swap3A_5] : memref<1x256x1024xf32, #tpu.memory_space<vmem>>, vector<1x256x1024xf32>
    %swap3A_7 = vector.shape_cast %swap3A_6 : vector<1x256x1024xf32> to vector<256x1024xf32>
    %swap3A_8 = vector.shape_cast %transpose3A : vector<256x1024xf32> to vector<1x256x1024xf32>
    tpu.vector_store %arg2[%swap3A, %swap3A_4, %swap3A_5], %swap3A_8 {strides = array<i32>} : memref<1x256x1024xf32, #tpu.memory_space<vmem>>, vector<1x256x1024xf32>,
    return
  }
  func.func @transform_0(%arg0: i32) -> (i32, i32, i32) {
    %c0_i32 = arith.constant 0 : i32
    %c0_i32_0 = arith.constant 0 : i32
    %c0_i32_1 = arith.constant 0 : i32
    return %arg0, %c0_i32, %c0_i32_0 : i32, i32, i32
  }
  func.func @transform_1(%arg0: i32) -> (i32, i32, i32) {
    %c0_i32 = arith.constant 0 : i32
    %c0_i32_0 = arith.constant 0 : i32
    %c0_i32_1 = arith.constant 0 : i32
    return %arg0, %c0_i32, %c0_i32_0 : i32, i32, i32
  }
}

</mosaic_0001>

<sc_bundles>
// kernel: kernel.5.cloned.1.call-start
scs
__scs_entry_jumppad:
0x0: {  	(pc) =	sbr.rel $0x88, $3  }
0x1: {  	(tag) =	ssettag $0x0;
	lr =	simm.s32 $0x1  }
0x2: {  	[smem:$0x3F9D] =	sst lr;
	_ =	strace $0xD0000000  }
0x3: {  	_ = 	snop  }
0x4: {  	_ = 	snop  }
0x5: {  	_ = 	snop  }
0x6: {  	_ = 	snop  }
0x7: {  	_ = 	snop  }
__scs_overlays_trampoline_lowered:
0x8: {  	[smem:$0x3FAC] =	sst s0  }
0x9: {  	[smem:$0x3FAD] =	sst s1  }
0xa: {  	[smem:$0x3FAE] =	sst s2  }
0xb: {  	[smem:$0x3FAF] =	sst s3  }
0xc: {  	[smem:$0x3FB0] =	sst s4  }
0xd: {  	[smem:$0x3FB1] =	sst s5  }
0xe: {  	[smem:$0x3FB2] =	sst s6  }
0xf: {  	[smem:$0x3FB3] =	sst s7  }
0x10: {  	[smem:$0x3FB4] =	sst s8  }
0x11: {  	[smem:$0x3FB5] =	sst s9;
	s0 =	simm.s32 @!p0 $0x0  }
0x12: {  	s1 =	sld [smem:$0x3F9B];
	s0 =	simm.s32 @p0 $0x1  }
0x13: {  	[smem:$0x3FB6] =	sst s0;
	s0 =	simm.s32 @!p1 $0x0  }
0x14: {  	s2 =	sld [smem:$0x3F9A];
	s0 =	simm.s32 @p1 $0x1  }
0x15: {  	[smem:$0x3FB7] =	sst s0;
	s0 =	simm.s32 @!p2 $0x0  }
0x16: {  	s3 =	sld [smem:$0x3FDB];
	s0 =	simm.s32 @p2 $0x1  }
0x17: {  	s4 =	simm.s32 $0x1BF5;
	[smem:$0x3FB9] =	sst s0  }
0x18: {  	s0 =	sld [smem:$0x3F9C];
	_ =	swait.ge [sflag:s4], $0x0  }
0x19: {  	s7 =	sld [smem:$0x3F9D]  }
0x1a: {  	s8 =	sadd.s32 $0xFFFFE003, lr  }
0x1b: {  	s9 =	sadd.s32 $0xFFFFFEF7, lr;
	s5 =	simm.s32 $0xFFFFFFFF;
	p2 =	slt.u32 s8, $0xFFFFF086  }
0x1c: {  	p1 =	slt.u32 s9, $0xF7A;
	s5 =	simm.s32 @!p2 $0x0  }
0x1d: {  	s5 =	simm.s32 @p1 $0x1;
	p0 =	seq.s32 s7, s2  }
0x1e: {  	s7 =	smul.u32 @!p0 $0xF7A, s2;
	p2 =	seq.s32 @!p0 s5, $0x0  }
0x1f: {  	s9 =	smul.u32 $0xF7A, s1;
	s8 =	simm.s32 @!p0 $0x1BF5;
	p2 =	por !p2, p0  }
0x20: {  	[sflag:s8] =	ssyncset.s32 @!p0 $0xFFFFF086;
	s6 =	sadd.s32 @!p0 s3, s7;
	s7 =	simm.s32 @!p0 $0x108  }
0x21: {  	s3 =	sadd.s32 s3, s9;
	s6 =	sadd.s32 @!p0 $0x88, s6;
	s7 =	simm.s32 @p2 $0x1082  }
0x22: {  	[simem:s7], [sflag:s8] =	dma.local @!p0 [hbm:s6], $0xF7A  }
0x23: {  	s9 =	sor.u32 $0xD0000000, s2;
	s6 =	simm.s32 $0x108;
	_ =	swait.ge @!p0 [sflag:s8], $0x0  }
0x24: {  	s3 =	sadd.s32 $0x88, s3;
	s6 =	simm.s32 @!p1 $0x1082;
	[sflag:s4] =	ssyncset.s32 $0xFFFFF086  }
0x25: {  	[simem:s6], [sflag:s4] =	dma.local [hbm:s3], $0xF7A  }
0x26: {  	[smem:$0x3F9D] =	sst s1;
	(tag) =	ssettag s2;
	_ =	strace s9  }
0x27: {  	s1 =	sld [smem:$0x3FAD]  }
0x28: {  	s2 =	sld [smem:$0x3FAE]  }
0x29: {  	s4 =	sld [smem:$0x3FB0]  }
0x2a: {  	p0 =	seq.s32 s5, $0x0;
	s5 =	sld [smem:$0x3FB1]  }
0x2b: {  	s6 =	sld [smem:$0x3FB2]  }
0x2c: {  	s7 =	sld [smem:$0x3FB3]  }
0x2d: {  	s3 =	simm.s32 $0x108;
	s8 =	sld [smem:$0x3FB4]  }
0x2e: {  	s3 =	simm.s32 @!p0 $0x1082;
	s9 =	sld [smem:$0x3FB5]  }
0x2f: {  	lr =	sadd.s32 s0, s3;
	s0 =	sld [smem:$0x3FAC]  }
0x30: {  	s3 =	sld [smem:$0x3FAF]  }
0x31: {  	[smem:$0x3FB8] =	sst s10  }
0x32: {  	s10 =	sld [smem:$0x3FB6];
	_ =	sdelay $0x3  }
0x33: {  	p0 =	seq.s32 s10, $0x1;
	s10 =	sld [smem:$0x3FB8];
	_ =	sdelay $0x3  }
0x34: {  	[smem:$0x3FB8] =	sst s10  }
0x35: {  	s10 =	sld [smem:$0x3FB7];
	_ =	sdelay $0x3  }
0x36: {  	p1 =	seq.s32 s10, $0x1;
	s10 =	sld [smem:$0x3FB8];
	_ =	sdelay $0x3  }
0x37: {  	[smem:$0x3FB8] =	sst s10  }
0x38: {  	s10 =	sld [smem:$0x3FB9]  }
0x39: {  	_ = 	snop;
	(pc) =	sbr.ind lr, $3  }
0x3a: {  	_ = 	snop  }
0x3b: {  	_ = 	snop  }
0x3c: {  	p2 =	seq.s32 s10, $0x1;
	s10 =	sld [smem:$0x3FB8]  }
0x3d: {  	_ =	shalt  }
0x3e: {  	_ =	shalt  }
0x3f: {  	_ =	shalt  }
0x40: {  	_ =	shalt  }
0x41: {  	_ =	shalt  }
0x42: {  	_ =	shalt  }
0x43: {  	_ =	shalt  }
0x44: {  	_ =	shalt  }
0x45: {  	_ =	shalt  }
0x46: {  	_ =	shalt  }
0x47: {  	_ =	shalt  }
0x48: {  	_ =	shalt  }
0x49: {  	_ =	shalt  }
0x4a: {  	_ =	shalt  }
0x4b: {  	_ =	shalt  }
0x4c: {  	_ =	shalt  }
0x4d: {  	_ =	shalt  }
0x4e: {  	_ =	shalt  }
0x4f: {  	_ =	shalt  }
0x50: {  	_ =	shalt  }
0x51: {  	_ =	shalt  }
0x52: {  	_ =	shalt  }
0x53: {  	_ =	shalt  }
0x54: {  	_ =	shalt  }
0x55: {  	_ =	shalt  }
0x56: {  	_ =	shalt  }
0x57: {  	_ =	shalt  }
0x58: {  	_ =	shalt  }
0x59: {  	_ =	shalt  }
0x5a: {  	_ =	shalt  }
0x5b: {  	_ =	shalt  }
0x5c: {  	_ =	shalt  }
0x5d: {  	_ =	shalt  }
0x5e: {  	_ =	shalt  }
0x5f: {  	_ =	shalt  }
0x60: {  	_ =	shalt  }
0x61: {  	_ =	shalt  }
0x62: {  	_ =	shalt  }
0x63: {  	_ =	shalt  }
0x64: {  	_ =	shalt  }
0x65: {  	_ =	shalt  }
0x66: {  	_ =	shalt  }
0x67: {  	_ =	shalt  }
0x68: {  	_ =	shalt  }
0x69: {  	_ =	shalt  }
0x6a: {  	_ =	shalt  }
0x6b: {  	_ =	shalt  }
0x6c: {  	_ =	shalt  }
0x6d: {  	_ =	shalt  }
0x6e: {  	_ =	shalt  }
0x6f: {  	_ =	shalt  }
0x70: {  	_ =	shalt  }
0x71: {  	_ =	shalt  }
0x72: {  	_ =	shalt  }
0x73: {  	_ =	shalt  }
0x74: {  	_ =	shalt  }
0x75: {  	_ =	shalt  }
0x76: {  	_ =	shalt  }
0x77: {  	_ =	shalt  }
0x78: {  	_ =	shalt  }
0x79: {  	_ =	shalt  }
0x7a: {  	_ =	shalt  }
0x7b: {  	_ =	shalt  }
0x7c: {  	_ =	shalt  }
0x7d: {  	_ =	shalt  }
0x7e: {  	_ =	shalt  }
0x7f: {  	_ =	shalt  }
0x80: {  	_ =	shalt  }
0x81: {  	_ =	shalt  }
0x82: {  	_ =	shalt  }
0x83: {  	_ =	shalt  }
0x84: {  	_ =	shalt  }
0x85: {  	_ =	shalt  }
0x86: {  	_ =	shalt  }
0x87: {  	_ =	shalt  }
.Lfunc_end0:
.L_simem_size_0:
called_computation_lowered:
.L_overlay_start_0:
0x88: {  	s2 =	sld [smem:$0x3FD9]  }
0x89: {  	s3 =	sld [smem:$0x3FFE];
	_ =	sdelay $0x1  }
0x8a: {  	s1 =	srdreg.scid  }
0x8b: {  	s0 =	sand.u32 $0x1, s1  }
0x8c: {  	s14 =	sshll.u32 s0, $0xA;
	s2 =	sadd.s32 s3, s2  }
0x8d: {  	s2 =	sadd.s32 s2, s14  }
0x8e: {  	[smem:$0x3FC4] =	sst s2  }
0x8f: {  	_ = 	snop  }
0x90: {  	s2 =	sld [smem:$0x3FD0];
	_ =	sdelay $0x2  }
0x91: {  	s4 =	simm.s32 $0xA;
	s5 =	simm.s32 $0x10;
	s15 =	sld [smem:$0x3FC6]  }
0x92: {  	[smem:s5], [sflag:s4] =	dma.local [hbm:s2], $0x1  }
0x93: {  	_ =	swait.eq [sflag:s4], $0x1  }
0x94: {  	[sflag:s4] =	ssyncset.done $0x0  }
0x95: {  	[sflag:s4] =	ssyncadd.s32 $0xFFFFFFFF  }
0x96: {  	s16 =	sld [smem:$0x10];
	(tm) =	ssettm $0x1  }
0x97: {  	s17 =	sld [smem:$0x3FFB];
	_ =	sdelay $0x3  }
0x98: {  	_ =	strace s17  }
0x99: {  	s4 =	sld [smem:$0x3FFC];
	_ =	sdelay $0x3  }
0x9a: {  	_ =	strace s4  }
0x9b: {  	s4 =	sld [smem:$0x3FFD];
	_ =	sdelay $0x3  }
0x9c: {  	_ =	strace s4  }
0x9d: {  	_ =	strace $0x8FFFFFFF  }
0x9e: {  	s18 =	sld [smem:$0x3FDB];
	_ =	sdelay $0x1  }
0x9f: {  	s19 =	simm.s32 $_scs_section_size  }
0xa0: {  	s6 =	simm.s32 $_size__tile_overlayer_lowered;
	s7 =	simm.s32 $_tile_overlayer_lowered  }
0xa1: {  	s22 =	simm.s32 $0x1BFF;
	s21 =	sshll.u32 s7, $0x1;
	s4 =	sadd.s32 s19, s18  }
0xa2: {  	s8 =	simm.s32 $0x0;
	s20 =	sshll.u32 s6, $0x1;
	s6 =	sadd.s32 s21, s4  }
0xa3: {  	[timem:s8], [sflag:s22] =	dma.local [hbm:s6], s20  }
0xa4: {  	_ =	swait.ge [sflag:s22], s20  }
0xa5: {  	s5 =	ssub.s32 $0x0, s20;
	[sflag:s22] =	ssyncset.done $0x0  }
0xa6: {  	[sflag:s22] =	ssyncadd.s32 s5;
	_ =	sdelay $0x1  }
0xa7: {  	s23 =	simm.s32 $0x1B8B  }
0xa8: {  	_ =	swait.ge [sflag:s23], $0x1  }
0xa9: {  	[sflag:s23] =	ssyncset.done $0x0  }
0xaa: {  	s25 =	simm.s32 $0x1B8E;
	s24 =	sld [smem:$0x3FFE];
	[sflag:s23] =	ssyncadd.s32 $0xFFFFFFFF  }
0xab: {  	s26 =	simm.s32 $execute0_lowered;
	[smem:$0x3FD2] =	sst s25  }
0xac: {  	s6 =	sshll.u32 s26, $0x1;
	_ =	strace $0x80000046;
	[dreg:$0x1] =	wrdreg $0xFFFFFFFF  }
0xad: {  	s28 =	simm.s32 $_size_execute0_lowered;
	s4 =	sadd.s32 s4, s6;
	[dreg:$0x0] =	wrdreg $0x0  }
0xae: {  	s6 =	sshll.u32 s28, $0x1;
	[dreg:$0x2] =	wrdreg s4  }
0xaf: {  	[dreg:$0x3] =	wrdreg s6  }
0xb0: {  	[dreg:$0x4] =	wrdreg $0xC0  }
0xb1: {  	_ =	task [dreg:s8], $0x5FFFF  }
0xb2: {  	[dreg:$0x1] =	wrdreg $0xFFFFFFFF  }
0xb3: {  	[dreg:$0x0] =	wrdreg $0x60  }
0xb4: {  	[dreg:$0x2] =	wrdreg s15  }
0xb5: {  	[dreg:$0x3] =	wrdreg s24  }
0xb6: {  	[dreg:$0x4] =	wrdreg s16  }
0xb7: {  	[dreg:$0x5] =	wrdreg $0x9  }
0xb8: {  	_ =	task.clear_ibuf [dreg:s8], $0x6FFFF;
	_ =	strace $0x90000046  }
0xb9: {  	s29 =	simm.s32 $0x9;
	_ =	strace $0x80000048  }
0xba: {  	_ =	swait.ge [sflag:s29], $0x1  }
0xbb: {  	[sflag:s29] =	ssyncadd.s32 $0xFFFFFFFF  }
0xbc: {  	_ =	strace $0x90000048  }
0xbd: {  	_ =	sfence  }
0xbe: {  	s30 =	sld [smem:$0x0];
	_ =	sdelay $0x2  }
0xbf: {  	s31 =	sshll.u32 s1, $0xD;
	s1 =	sshrl.u32 s1, $0x2  }
0xc0: {  	s3 =	sand.u32 $0x4000, s31;
	s1 =	sadd.s32 s1, s30  }
0xc1: {  	s0 =	sor.u32 s3, s0;
	s1 =	sshll.u32 s1, $0x11  }
0xc2: {  	s0 =	sor.u32 s1, s0  }
0xc3: {  	s0 =	sadd.s32 $0x8F2B, s0  }
0xc4: {  	[sflag:s0] =	ssyncadd.remote.s32 $0x1  }
0xc5: {  	_ =	sfence.sel $0xFFFF  }
0xc6: {  	[dreg:$0x0] =	wrdreg $0xFFFFFFFF;
	(pc) =	sbr.abs _section_cstart, $3  }
0xc7: {  	[dreg:$0x1] =	wrdreg $0xFFFFFFFF  }
0xc8: {  	_ =	task.clear_ibuf [dreg:s8], $0x2FFFF;
	_ =	strace $0x9FFFFFFF  }
0xc9: {  	(tm) =	ssettm $0x7FFFFFFF  }
tec
execute0_lowered:
.L_overlay_start_1:
0x0: {  	(tag) =	ssettag $0x1  }
0x1: {  	s1 =	rddreg [dreg:$0x0]  }
0x2: {  	s4 =	rddreg [dreg:$0x1]  }
0x3: {  	s7 =	rddreg [dreg:$0x2]  }
0x4: {  	s0 =	rddreg [dreg:$0x3];
	s3 =	simm.s32 $0x0;
	s5 =	srdreg.scid  }
0x5: {  	s2 =	stileid.u32;
	s11 =	simm.s32 $0x880;
	s12 =	simm.s32 $0x1080  }
0x6: {  	s13 =	simm.s32 $0x1880;
	s14 =	simm.s32 $0x2080;
	s15 =	simm.s32 $0x2880  }
0x7: {  	s16 =	simm.s32 $0x3080;
	s17 =	simm.s32 $0x3880;
	s18 =	simm.s32 $0x4080  }
0x8: {  	s19 =	simm.s32 $0x4880;
	s20 =	simm.s32 $0x5080;
	s21 =	simm.s32 $0x5880  }
0x9: {  	s22 =	simm.s32 $0x6080;
	s23 =	simm.s32 $0x6880;
	s24 =	simm.s32 $0x7080  }
0xa: {  	s25 =	simm.s32 $0x7880;
	s26 =	simm.s32 $0x1;
	s5 =	sand.u32 $0x1, s5  }
0xb: {  	[smem:$0x7FF] =	sst s3;
	s8 =	sshll.u32 s2, $0x9;
	s6 =	ssub.s32 $0x2, s5  }
0xc: {  	s28 =	sadd.s32 $0xA00, s4;
	s5 =	sshll.u32 s5, $0x8;
	s9 =	sshrl.u32 s6, $0x1  }
0xd: {  	_ =	strace $0x80000047;
	s5 =	sor.u32 s5, s8;
	s9 =	ssub.s32 s6, s9  }
0xe: {  	s29 =	sshrl.u32 s5, $0x3;
	s30 =	sshll.u32 s5, $0x5;
	s10 =	sor.u32 $0x80, s5  }
0xf: {  	v2 =	vlaneseq.u32;
	s4 =	sadd.s32 s28, s29;
	s5 =	sadd.s32 s7, s30;
	s31 =	sshrl.u32 s10, $0x3  }
0x10: {  	vm0 =	vmmov $0xffff;
	v1 =	vshrl.u32 v2, $0x3;
	s10 =	sshll.u32 s10, $0x5;
	s8 =	smax.u32 s9, $0x1;
	s9 =	simm.s32 $0x2  }
0x11: {  	v0 =	vand.u32 $0x7, v2;
	v2 =	vor.u32 $0x8, v2;
	v1 =	vmul.u32 $0x8, v1;
	s6 =	sadd.s32 s28, s31;
	s7 =	sadd.s32 s7, s10;
	s10 =	simm.s32 $0x80  }
.LBB2_1:
0x12: {  	[tilespmem:s3], [sflag:$0x2] =	stream.linear.gather [hbm4b:s4+s3], $0x80, $0x38;
	[tilespmem:$0x8080] =	vst v63  }
0x13: {  	_ =	swait.ge [sflag:s9], $0x80  }
0x14: {  	[sflag:s9] =	ssyncset.done $0x0  }
0x15: {  	[sflag:s9] =	ssyncadd.s32 $0xFFFFFF80  }
0x16: {  	v3 =	vld [tilespmem:$0x0];
	_ =	sdelay $0x4  }
0x17: {  	v4 =	vshll.u32 v3, $0x1  }
0x18: {  	v3 =	vand.u32 $0x7, v3;
	v4 =	vand.u32 $0xFFFFFFF0, v4  }
0x19: {  	v3 =	vor.u32 v3, v4  }
0x1a: {  	v4 =	vperm.xlane v3, v0;
	_ =	sdelay $0x1  }
0x1b: {  	v3 =	vperm.xlane v3, v2;
	v4 =	vadd.s32 v1, v4;
	_ =	sdelay $0x1  }
0x1c: {  	v3 =	vadd.s32 v1, v3;
	_ =	sdelay $0x2  }
0x1d: {  	[tilespmem:s10], [sflag:$0x1] =	stream.indirect_vreg.gather [hbm4b:s1+s3], $0x80, v4, vm0, $0xb8;
	[tilespmem:$0x8080] =	vst v63  }
0x1e: {  	_ = 	snop  }
0x1f: {  	[tilespmem:s11], [sflag:$0x1] =	stream.indirect_vreg.gather [hbm4b:s1+s3], $0x80, v3, vm0, $0xb8;
	[tilespmem:$0x8080] =	vst v63  }
0x20: {  	v3 =	vld [tilespmem:$0x10];
	_ =	sdelay $0x4  }
0x21: {  	v49 =	vshll.u32 v3, $0x1  }
0x22: {  	v3 =	vand.u32 $0x7, v3;
	v4 =	vand.u32 $0xFFFFFFF0, v49  }
0x23: {  	v3 =	vor.u32 v3, v4  }
0x24: {  	v4 =	vperm.xlane v3, v0;
	_ =	sdelay $0x1  }
0x25: {  	v3 =	vperm.xlane v3, v2;
	v4 =	vadd.s32 v1, v4;
	_ =	sdelay $0x1  }
0x26: {  	v3 =	vadd.s32 v1, v3;
	_ =	sdelay $0x2  }
0x27: {  	[tilespmem:s12], [sflag:$0x1] =	stream.indirect_vreg.gather [hbm4b:s1+s3], $0x80, v4, vm0, $0xb8;
	[tilespmem:$0x8080] =	vst v63  }
0x28: {  	_ = 	snop  }
0x29: {  	[tilespmem:s13], [sflag:$0x1] =	stream.indirect_vreg.gather [hbm4b:s1+s3], $0x80, v3, vm0, $0xb8;
	[tilespmem:$0x8080] =	vst v63  }
0x2a: {  	v3 =	vld [tilespmem:$0x20];
	_ =	sdelay $0x4  }
0x2b: {  	v50 =	vshll.u32 v3, $0x1  }
0x2c: {  	v3 =	vand.u32 $0x7, v3;
	v4 =	vand.u32 $0xFFFFFFF0, v50  }
0x2d: {  	v3 =	vor.u32 v3, v4  }
0x2e: {  	v4 =	vperm.xlane v3, v0;
	_ =	sdelay $0x1  }
0x2f: {  	v3 =	vperm.xlane v3, v2;
	v4 =	vadd.s32 v1, v4;
	_ =	sdelay $0x1  }
0x30: {  	v3 =	vadd.s32 v1, v3;
	_ =	sdelay $0x2  }
0x31: {  	[tilespmem:s14], [sflag:$0x1] =	stream.indirect_vreg.gather [hbm4b:s1+s3], $0x80, v4, vm0, $0xb8;
	[tilespmem:$0x8080] =	vst v63  }
0x32: {  	_ = 	snop  }
0x33: {  	[tilespmem:s15], [sflag:$0x1] =	stream.indirect_vreg.gather [hbm4b:s1+s3], $0x80, v3, vm0, $0xb8;
	[tilespmem:$0x8080] =	vst v63  }
0x34: {  	v3 =	vld [tilespmem:$0x30];
	_ =	sdelay $0x4  }
0x35: {  	v51 =	vshll.u32 v3, $0x1  }
0x36: {  	v3 =	vand.u32 $0x7, v3;
	v4 =	vand.u32 $0xFFFFFFF0, v51  }
0x37: {  	v3 =	vor.u32 v3, v4  }
0x38: {  	v4 =	vperm.xlane v3, v0;
	_ =	sdelay $0x1  }
0x39: {  	v3 =	vperm.xlane v3, v2;
	v4 =	vadd.s32 v1, v4;
	_ =	sdelay $0x1  }
0x3a: {  	v3 =	vadd.s32 v1, v3;
	_ =	sdelay $0x2  }
0x3b: {  	[tilespmem:s16], [sflag:$0x1] =	stream.indirect_vreg.gather [hbm4b:s1+s3], $0x80, v4, vm0, $0xb8;
	[tilespmem:$0x8080] =	vst v63  }
0x3c: {  	_ = 	snop  }
0x3d: {  	[tilespmem:s17], [sflag:$0x1] =	stream.indirect_vreg.gather [hbm4b:s1+s3], $0x80, v3, vm0, $0xb8;
	[tilespmem:$0x8080] =	vst v63  }
0x3e: {  	v3 =	vld [tilespmem:$0x40];
	_ =	sdelay $0x4  }
0x3f: {  	v52 =	vshll.u32 v3, $0x1  }
0x40: {  	v3 =	vand.u32 $0x7, v3;
	v4 =	vand.u32 $0xFFFFFFF0, v52  }
0x41: {  	v3 =	vor.u32 v3, v4  }
0x42: {  	v4 =	vperm.xlane v3, v0;
	_ =	sdelay $0x1  }
0x43: {  	v3 =	vperm.xlane v3, v2;
	v4 =	vadd.s32 v1, v4;
	_ =	sdelay $0x1  }
0x44: {  	v3 =	vadd.s32 v1, v3;
	_ =	sdelay $0x2  }
0x45: {  	[tilespmem:s18], [sflag:$0x1] =	stream.indirect_vreg.gather [hbm4b:s1+s3], $0x80, v4, vm0, $0xb8;
	[tilespmem:$0x8080] =	vst v63  }
0x46: {  	_ = 	snop  }
0x47: {  	[tilespmem:s19], [sflag:$0x1] =	stream.indirect_vreg.gather [hbm4b:s1+s3], $0x80, v3, vm0, $0xb8;
	[tilespmem:$0x8080] =	vst v63  }
0x48: {  	v3 =	vld [tilespmem:$0x50];
	_ =	sdelay $0x4  }
0x49: {  	v53 =	vshll.u32 v3, $0x1  }
0x4a: {  	v3 =	vand.u32 $0x7, v3;
	v4 =	vand.u32 $0xFFFFFFF0, v53  }
0x4b: {  	v3 =	vor.u32 v3, v4  }
0x4c: {  	v4 =	vperm.xlane v3, v0;
	_ =	sdelay $0x1  }
0x4d: {  	v3 =	vperm.xlane v3, v2;
	v4 =	vadd.s32 v1, v4;
	_ =	sdelay $0x1  }
0x4e: {  	v3 =	vadd.s32 v1, v3;
	_ =	sdelay $0x2  }
0x4f: {  	[tilespmem:s20], [sflag:$0x1] =	stream.indirect_vreg.gather [hbm4b:s1+s3], $0x80, v4, vm0, $0xb8;
	[tilespmem:$0x8080] =	vst v63  }
0x50: {  	_ = 	snop  }
0x51: {  	[tilespmem:s21], [sflag:$0x1] =	stream.indirect_vreg.gather [hbm4b:s1+s3], $0x80, v3, vm0, $0xb8;
	[tilespmem:$0x8080] =	vst v63  }
0x52: {  	v3 =	vld [tilespmem:$0x60];
	_ =	sdelay $0x4  }
0x53: {  	v54 =	vshll.u32 v3, $0x1  }
0x54: {  	v3 =	vand.u32 $0x7, v3;
	v4 =	vand.u32 $0xFFFFFFF0, v54  }
0x55: {  	v3 =	vor.u32 v3, v4  }
0x56: {  	v4 =	vperm.xlane v3, v0;
	_ =	sdelay $0x1  }
0x57: {  	v3 =	vperm.xlane v3, v2;
	v4 =	vadd.s32 v1, v4;
	_ =	sdelay $0x1  }
0x58: {  	v3 =	vadd.s32 v1, v3;
	_ =	sdelay $0x2  }
0x59: {  	[tilespmem:s22], [sflag:$0x1] =	stream.indirect_vreg.gather [hbm4b:s1+s3], $0x80, v4, vm0, $0xb8;
	[tilespmem:$0x8080] =	vst v63  }
0x5a: {  	_ = 	snop  }
0x5b: {  	[tilespmem:s23], [sflag:$0x1] =	stream.indirect_vreg.gather [hbm4b:s1+s3], $0x80, v3, vm0, $0xb8;
	[tilespmem:$0x8080] =	vst v63  }
0x5c: {  	v3 =	vld [tilespmem:$0x70];
	_ =	sdelay $0x4  }
0x5d: {  	v55 =	vshll.u32 v3, $0x1  }
0x5e: {  	v3 =	vand.u32 $0x7, v3;
	v4 =	vand.u32 $0xFFFFFFF0, v55  }
0x5f: {  	v3 =	vor.u32 v3, v4  }
0x60: {  	v4 =	vperm.xlane v3, v0;
	_ =	sdelay $0x1  }
0x61: {  	v3 =	vperm.xlane v3, v2;
	v4 =	vadd.s32 v1, v4;
	_ =	sdelay $0x1  }
0x62: {  	v3 =	vadd.s32 v1, v3;
	_ =	sdelay $0x2  }
0x63: {  	[tilespmem:s24], [sflag:$0x1] =	stream.indirect_vreg.gather [hbm4b:s1+s3], $0x80, v4, vm0, $0xb8;
	[tilespmem:$0x8080] =	vst v63  }
0x64: {  	_ = 	snop  }
0x65: {  	[tilespmem:s25], [sflag:$0x1] =	stream.indirect_vreg.gather [hbm4b:s1+s3], $0x80, v3, vm0, $0xb8;
	[tilespmem:$0x8080] =	vst v63  }
0x66: {  	_ =	swait.ge [sflag:s26], $0x8000  }
0x67: {  	[sflag:s26] =	ssyncset.done $0x0  }
0x68: {  	[sflag:s26] =	ssyncadd.s32 $0xFFFF8000  }
0x69: {  	[hbm4b:s5+s3] =	stream.linear.scatter [tilespmem:s10], [sflag:$0x2], $0x8000, $0x38;
	[tilespmem:$0x8080] =	vst v63  }
0x6a: {  	_ =	swait.ge [sflag:s9], $0x8000  }
0x6b: {  	[sflag:s9] =	ssyncset.done $0x0  }
0x6c: {  	[sflag:s9] =	ssyncadd.s32 $0xFFFF8000  }
0x6d: {  	[tilespmem:s3], [sflag:$0x2] =	stream.linear.gather [hbm4b:s6+s3], $0x80, $0x38;
	[tilespmem:$0x8080] =	vst v63  }
0x6e: {  	_ =	swait.ge [sflag:s9], $0x80  }
0x6f: {  	[sflag:s9] =	ssyncset.done $0x0  }
0x70: {  	[sflag:s9] =	ssyncadd.s32 $0xFFFFFF80  }
0x71: {  	v3 =	vld [tilespmem:$0x0];
	_ =	sdelay $0x4  }
0x72: {  	v56 =	vshll.u32 v3, $0x1  }
0x73: {  	v3 =	vand.u32 $0x7, v3;
	v4 =	vand.u32 $0xFFFFFFF0, v56  }
0x74: {  	v3 =	vor.u32 v3, v4  }
0x75: {  	v4 =	vperm.xlane v3, v0;
	_ =	sdelay $0x1  }
0x76: {  	v3 =	vperm.xlane v3, v2;
	v4 =	vadd.s32 v1, v4;
	_ =	sdelay $0x1  }
0x77: {  	v3 =	vadd.s32 v1, v3;
	_ =	sdelay $0x2  }
0x78: {  	[tilespmem:s10], [sflag:$0x1] =	stream.indirect_vreg.gather [hbm4b:s1+s3], $0x80, v4, vm0, $0xb8;
	[tilespmem:$0x8080] =	vst v63  }
0x79: {  	_ = 	snop  }
0x7a: {  	[tilespmem:s11], [sflag:$0x1] =	stream.indirect_vreg.gather [hbm4b:s1+s3], $0x80, v3, vm0, $0xb8;
	[tilespmem:$0x8080] =	vst v63  }
0x7b: {  	v3 =	vld [tilespmem:$0x10];
	_ =	sdelay $0x4  }
0x7c: {  	v57 =	vshll.u32 v3, $0x1  }
0x7d: {  	v3 =	vand.u32 $0x7, v3;
	v4 =	vand.u32 $0xFFFFFFF0, v57  }
0x7e: {  	v3 =	vor.u32 v3, v4  }
0x7f: {  	v4 =	vperm.xlane v3, v0;
	_ =	sdelay $0x1  }
0x80: {  	v3 =	vperm.xlane v3, v2;
	v4 =	vadd.s32 v1, v4;
	_ =	sdelay $0x1  }
0x81: {  	v3 =	vadd.s32 v1, v3;
	_ =	sdelay $0x2  }
0x82: {  	[tilespmem:s12], [sflag:$0x1] =	stream.indirect_vreg.gather [hbm4b:s1+s3], $0x80, v4, vm0, $0xb8;
	[tilespmem:$0x8080] =	vst v63  }
0x83: {  	_ = 	snop  }
0x84: {  	[tilespmem:s13], [sflag:$0x1] =	stream.indirect_vreg.gather [hbm4b:s1+s3], $0x80, v3, vm0, $0xb8;
	[tilespmem:$0x8080] =	vst v63  }
0x85: {  	v3 =	vld [tilespmem:$0x20];
	_ =	sdelay $0x4  }
0x86: {  	v58 =	vshll.u32 v3, $0x1  }
0x87: {  	v3 =	vand.u32 $0x7, v3;
	v4 =	vand.u32 $0xFFFFFFF0, v58  }
0x88: {  	v3 =	vor.u32 v3, v4  }
0x89: {  	v4 =	vperm.xlane v3, v0;
	_ =	sdelay $0x1  }
0x8a: {  	v3 =	vperm.xlane v3, v2;
	v4 =	vadd.s32 v1, v4;
	_ =	sdelay $0x1  }
0x8b: {  	v3 =	vadd.s32 v1, v3;
	_ =	sdelay $0x2  }
0x8c: {  	[tilespmem:s14], [sflag:$0x1] =	stream.indirect_vreg.gather [hbm4b:s1+s3], $0x80, v4, vm0, $0xb8;
	[tilespmem:$0x8080] =	vst v63  }
0x8d: {  	_ = 	snop  }
0x8e: {  	[tilespmem:s15], [sflag:$0x1] =	stream.indirect_vreg.gather [hbm4b:s1+s3], $0x80, v3, vm0, $0xb8;
	[tilespmem:$0x8080] =	vst v63  }
0x8f: {  	v3 =	vld [tilespmem:$0x30];
	_ =	sdelay $0x4  }
0x90: {  	v59 =	vshll.u32 v3, $0x1  }
0x91: {  	v3 =	vand.u32 $0x7, v3;
	v4 =	vand.u32 $0xFFFFFFF0, v59  }
0x92: {  	v3 =	vor.u32 v3, v4  }
0x93: {  	v4 =	vperm.xlane v3, v0;
	_ =	sdelay $0x1  }
0x94: {  	v3 =	vperm.xlane v3, v2;
	v4 =	vadd.s32 v1, v4;
	_ =	sdelay $0x1  }
0x95: {  	v3 =	vadd.s32 v1, v3;
	_ =	sdelay $0x2  }
0x96: {  	[tilespmem:s16], [sflag:$0x1] =	stream.indirect_vreg.gather [hbm4b:s1+s3], $0x80, v4, vm0, $0xb8;
	[tilespmem:$0x8080] =	vst v63  }
0x97: {  	_ = 	snop  }
0x98: {  	[tilespmem:s17], [sflag:$0x1] =	stream.indirect_vreg.gather [hbm4b:s1+s3], $0x80, v3, vm0, $0xb8;
	[tilespmem:$0x8080] =	vst v63  }
0x99: {  	v3 =	vld [tilespmem:$0x40];
	_ =	sdelay $0x4  }
0x9a: {  	v60 =	vshll.u32 v3, $0x1  }
0x9b: {  	v3 =	vand.u32 $0x7, v3;
	v4 =	vand.u32 $0xFFFFFFF0, v60  }
0x9c: {  	v3 =	vor.u32 v3, v4  }
0x9d: {  	v4 =	vperm.xlane v3, v0;
	_ =	sdelay $0x1  }
0x9e: {  	v3 =	vperm.xlane v3, v2;
	v4 =	vadd.s32 v1, v4;
	_ =	sdelay $0x1  }
0x9f: {  	v3 =	vadd.s32 v1, v3;
	_ =	sdelay $0x2  }
0xa0: {  	[tilespmem:s18], [sflag:$0x1] =	stream.indirect_vreg.gather [hbm4b:s1+s3], $0x80, v4, vm0, $0xb8;
	[tilespmem:$0x8080] =	vst v63  }
0xa1: {  	_ = 	snop  }
0xa2: {  	[tilespmem:s19], [sflag:$0x1] =	stream.indirect_vreg.gather [hbm4b:s1+s3], $0x80, v3, vm0, $0xb8;
	[tilespmem:$0x8080] =	vst v63  }
0xa3: {  	v3 =	vld [tilespmem:$0x50];
	_ =	sdelay $0x4  }
0xa4: {  	v61 =	vshll.u32 v3, $0x1  }
0xa5: {  	v3 =	vand.u32 $0x7, v3;
	v4 =	vand.u32 $0xFFFFFFF0, v61  }
0xa6: {  	v3 =	vor.u32 v3, v4  }
0xa7: {  	v4 =	vperm.xlane v3, v0;
	_ =	sdelay $0x1  }
0xa8: {  	v3 =	vperm.xlane v3, v2;
	v4 =	vadd.s32 v1, v4;
	_ =	sdelay $0x1  }
0xa9: {  	v3 =	vadd.s32 v1, v3;
	_ =	sdelay $0x2  }
0xaa: {  	[tilespmem:s20], [sflag:$0x1] =	stream.indirect_vreg.gather [hbm4b:s1+s3], $0x80, v4, vm0, $0xb8;
	[tilespmem:$0x8080] =	vst v63  }
0xab: {  	_ = 	snop  }
0xac: {  	[tilespmem:s21], [sflag:$0x1] =	stream.indirect_vreg.gather [hbm4b:s1+s3], $0x80, v3, vm0, $0xb8;
	[tilespmem:$0x8080] =	vst v63  }
0xad: {  	v3 =	vld [tilespmem:$0x60];
	_ =	sdelay $0x4  }
0xae: {  	v62 =	vshll.u32 v3, $0x1  }
0xaf: {  	v3 =	vand.u32 $0x7, v3;
	v4 =	vand.u32 $0xFFFFFFF0, v62  }
0xb0: {  	v3 =	vor.u32 v3, v4  }
0xb1: {  	v4 =	vperm.xlane v3, v0;
	_ =	sdelay $0x1  }
0xb2: {  	v3 =	vperm.xlane v3, v2;
	v4 =	vadd.s32 v1, v4;
	_ =	sdelay $0x1  }
0xb3: {  	v3 =	vadd.s32 v1, v3;
	_ =	sdelay $0x2  }
0xb4: {  	[tilespmem:s22], [sflag:$0x1] =	stream.indirect_vreg.gather [hbm4b:s1+s3], $0x80, v4, vm0, $0xb8;
	[tilespmem:$0x8080] =	vst v63  }
0xb5: {  	_ = 	snop  }
0xb6: {  	[tilespmem:s23], [sflag:$0x1] =	stream.indirect_vreg.gather [hbm4b:s1+s3], $0x80, v3, vm0, $0xb8;
	[tilespmem:$0x8080] =	vst v63  }
0xb7: {  	v3 =	vld [tilespmem:$0x70];
	_ =	sdelay $0x4  }
0xb8: {  	v63 =	vshll.u32 v3, $0x1  }
0xb9: {  	v3 =	vand.u32 $0x7, v3;
	v4 =	vand.u32 $0xFFFFFFF0, v63  }
0xba: {  	v3 =	vor.u32 v3, v4  }
0xbb: {  	v4 =	vperm.xlane v3, v0;
	_ =	sdelay $0x1  }
0xbc: {  	v3 =	vperm.xlane v3, v2;
	v4 =	vadd.s32 v1, v4;
	_ =	sdelay $0x1  }
0xbd: {  	v3 =	vadd.s32 v1, v3;
	_ =	sdelay $0x2  }
0xbe: {  	[tilespmem:s24], [sflag:$0x1] =	stream.indirect_vreg.gather [hbm4b:s1+s3], $0x80, v4, vm0, $0xb8;
	[tilespmem:$0x8080] =	vst v63  }
0xbf: {  	_ = 	snop  }
0xc0: {  	[tilespmem:s25], [sflag:$0x1] =	stream.indirect_vreg.gather [hbm4b:s1+s3], $0x80, v3, vm0, $0xb8;
	[tilespmem:$0x8080] =	vst v63  }
0xc1: {  	_ =	swait.ge [sflag:s26], $0x8000  }
0xc2: {  	p0 =	sne.s32 s8, $0x1;
	[sflag:s26] =	ssyncset.done $0x0  }
.Ltmp0:
0xc3: {  	[sflag:s26] =	ssyncadd.s32 $0xFFFF8000;
	(pc) =	sbr.rel @p0 .LBB2_1-.Ltmp0, $4  }
0xc4: {  	[hbm4b:s7+s3] =	stream.linear.scatter [tilespmem:s10], [sflag:$0x2], $0x8000, $0x38;
	[tilespmem:$0x8080] =	vst v63  }
0xc5: {  	_ =	swait.ge [sflag:s9], $0x8000  }
0xc6: {  	[sflag:s9] =	ssyncset.done $0x0  }
0xc7: {  	s8 =	sadd.s32 $0xFFFFFFFF, s8;
	[sflag:s9] =	ssyncadd.s32 $0xFFFF8000  }
0xc8: {  	_ =	sfence.sel $0x180000  }
0xc9: {  	[bflag:$0x0] =	sbarrier.arrive $0xFFFF  }
0xca: {  	p0 =	sne.s32 s2, $0x0;
	_ =	strace $0x90000047  }
0xcb: {  	s0 =	sadd.s32 @!p0 $0x100000, s0;
	[bflag:$0x2] =	sbarrier.arrive $0xFFFF  }
0xcc: {  	[sflag:s0] =	ssyncadd.tile.s32 @!p0 $0x1;
	_ =	shalt  }
.Lfunc_end2:
_tile_overlayer_lowered:
.L_overlay_start_2:
0xcd: {  	(tag) =	ssettag $0x2  }
0xce: {  	s0 =	rddreg [dreg:$0x0];
	s2 =	stileid.u32  }
0xcf: {  	s1 =	rddreg [dreg:$0x1];
	p0 =	sne.s32 s2, $0x0  }
0xd0: {  	s3 =	rddreg [dreg:$0x2];
	[bflag:$0x3] =	sbarrier.arrive $0xFFFF;
	s2 =	simm.s32 @!p0 $0x1C02  }
0xd1: {  	[timem:s3], [sflag:s2] =	dma.local @!p0 [hbm:s0], s1  }
0xd2: {  	s0 =	simm.s32 @!p0 $0x2  }
0xd3: {  	_ =	swait.ge @!p0 [sflag:s0], s1  }
0xd4: {  	s1 =	ssub.s32 @!p0 $0x0, s1;
	[sflag:s0] =	ssyncset.done @!p0 $0x0  }
0xd5: {  	[sflag:s0] =	ssyncadd.s32 @!p0 s1  }
0xd6: {  	[bflag:$0x3] =	sbarrier.arrive $0xFFFF  }
0xd7: {  	_ =	shalt  }

</sc_bundles>
